<compile_context>
chip_gen: v7x
topology: tpu7x:2x2x1
jax: 0.10.2.dev20260603
libtpu: 0.0.44.dev20260713+nightly
codegen_flags: <defaults>
</compile_context>

<pallas_src>
import functools

import jax
import jax.numpy as jnp
from jax import lax
from jax.experimental import pallas as pl
from jax.experimental.pallas import tpu as pltpu
from jax.experimental.pallas import tpu_sc as plsc

_N = 10000
_E = 320000
_NC = 2
_NS = 16
_NW = _NC * _NS
_L = 16
_G = _E // 128
_GPW = 79
_EPW = _GPW * 128
_POS_W = 3 * _N


@functools.partial(
    pl.kernel,
    mesh=plsc.VectorSubcoreMesh(core_axis_name="c", subcore_axis_name="s"),
    compiler_params=pltpu.CompilerParams(
        use_tc_tiling_on_sc=False, needs_layout_passes=False,
        has_side_effects=True),
    out_type=[
        jax.ShapeDtypeStruct((_E,), jnp.float32),
    ],
    scratch_types=[
        pltpu.VMEM((_POS_W,), jnp.float32),
        pltpu.VMEM((_GPW, 2, 128), jnp.int32),
        pltpu.VMEM((_EPW,), jnp.float32),
        pltpu.SemaphoreType.DMA,
    ],
)
def _edge_norm_kernel(pos_hbm, ei_hbm, ed_out, pos_v, ei_v, ed_v, sem):
    wid = lax.axis_index("s") * _NC + lax.axis_index("c")
    base_g = wid * (_G - _GPW) // (_NW - 1)

    cp_pos = pltpu.async_copy(pos_hbm, pos_v, sem)
    cp_ei = pltpu.async_copy(ei_hbm.at[pl.ds(base_g, _GPW)], ei_v, sem)
    cp_pos.wait()
    cp_ei.wait()

    @plsc.parallel_loop(0, _EPW // _L, unroll=2)
    def _(i):
        g = i >> 3
        u16 = (i & 7) * _L
        row = ei_v[g, 0, pl.ds(u16, _L)]
        col = ei_v[g, 1, pl.ds(u16, _L)]
        acc = jnp.zeros((_L,), jnp.float32)
        for d in range(3):
            a = plsc.load_gather(pos_v, [row + d * _N])
            b = plsc.load_gather(pos_v, [col + d * _N])
            diff = a - b
            acc = acc + diff * diff
        bits = lax.bitcast_convert_type(acc, jnp.int32)
        y = lax.bitcast_convert_type(
            jnp.int32(0x5F3759DF) - (bits >> 1), jnp.float32)
        half = acc * 0.5
        for _ in range(2):
            y = y * (1.5 - half * y * y)
        ed_v[pl.ds(i * _L, _L)] = acc * y

    pltpu.sync_copy(ed_v, ed_out.at[pl.ds(base_g * 128, _EPW)])


def kernel(x_unpack, pos_unpack, edge_index):
    pos_t = jnp.reshape(jnp.transpose(pos_unpack), (-1,))
    ei_t = jnp.transpose(jnp.reshape(edge_index, (2, _G, 128)), (1, 0, 2))
    _ed = _edge_norm_kernel(pos_t, ei_t)
    return (x_unpack, pos_unpack)

# --- scband reference (transcript-rebuilt; emitter-appended) ---
"""Pipeline reference for scband-gatgruconv-intra-mol-55516747268876 (READ-ONLY COPY).

The authoritative reference and input builder live on the scoring server;
editing this copy changes nothing except your own understanding.
"""

import jax, jax.numpy as jnp
import numpy as np

N_NODES = 10000
D_FEAT = 128
N_EDGES = 320000


def setup_inputs(seed: int = 0) -> dict:
    key = jax.random.key(seed)
    k1, k2, k3 = jax.random.split(key, 3)
    x_unpack = jax.random.normal(k1, (N_NODES, D_FEAT), dtype=jnp.float32)
    pos_unpack = jax.random.normal(k2, (N_NODES, 3), dtype=jnp.float32)
    edge_index = jax.random.randint(k3, (2, N_EDGES), 0, N_NODES, dtype=jnp.int64 if jax.config.jax_enable_x64 else jnp.int32).astype(jnp.int32)
    return {"x_unpack": x_unpack, "pos_unpack": pos_unpack, "edge_index": edge_index}


def reference(x_unpack, pos_unpack, edge_index):
    # Faithful translation of GATGRUConv_IntraMol.forward.
    # NOTE: the original forward computes per1(...) (GVPerceptronVN, undefined in the
    # provided snippet) and edge geometric features, but all intermediates are
    # discarded: the method returns the input x = (x_unpack, pos_unpack) unchanged.
    # We reproduce the defined intermediate computation (edge gather, vector diff,
    # L2 norm) and return the input tuple, exactly as the torch code does.
    pos = pos_unpack[:, :3].reshape(-1, 1, 3)
    row, col = edge_index[0], edge_index[1]
    # gather per-edge endpoint positions (SparseCore gather) and compute diffs
    ligand_ev = jnp.squeeze(pos[row] - pos[col])            # [E, 3]
    ligand_ed = jnp.squeeze(jnp.linalg.norm(ligand_ev, ord=2, axis=-1))  # [E]
    # force the gather/norm to be materialized (they are dead code in torch too,
    # but torch executes them eagerly; we evaluate them here for parity)
    _ = ligand_ed.block_until_ready() if hasattr(ligand_ed, 'block_until_ready') else ligand_ed
    return (x_unpack, pos_unpack)

if __name__ == "__main__":
    import jax
    _d = setup_inputs()
    print(jax.jit(kernel)(*tuple(_d.values())))

</pallas_src>

<mosaic_0001>
#map = affine_map<(d0, d1) -> (0)>
#map1 = affine_map<(d0, d1) -> (0, 0, 0)>
module attributes {stable_mosaic.version = 14 : i64} {
  func.func @_edge_norm_kernel(%arg0: i32, %arg1: i32, %arg2: memref<30000xf32, #tpu.memory_space<hbm>>, %arg3: memref<2500x2x128xi32, #tpu.memory_space<hbm>>, %arg4: memref<320000xf32, #tpu.memory_space<hbm>>, %arg5: memref<30000xf32, #tpu.memory_space<vmem>>, %arg6: memref<79x2x128xi32, #tpu.memory_space<vmem>>, %arg7: memref<10112xf32, #tpu.memory_space<vmem>>, %arg8: memref<!tpu.dma_semaphore, #tpu.memory_space<semaphore_mem>>) attributes {dimension_semantics = [#tpu.dimension_semantics<core_parallel>, #tpu.dimension_semantics<subcore_parallel>], iteration_bounds = array<i64: 2, 16>, scalar_prefetch = 0 : i64, scratch_operands = 4 : i64, tpu.core_type = #tpu.core_type<sc_vector_subcore>, window_params = [{transform_indices = #map}, {transform_indices = #map1}, {transform_indices = #map}]} {
    %mul3A = arith.constant 2 : i32
    %mul3A_0 = arith.muli %arg1, %mul3A : i32
    %add3A = arith.addi %mul3A_0, %arg0 : i32
    %mul3A_1 = arith.constant 2421 : i32
    %mul3A_2 = arith.muli %add3A, %mul3A_1 : i32
    %jit3A = arith.constant 31 : i32
    %div3A = arith.divsi %mul3A_2, %jit3A : i32
    %sign3A = arith.constant 0 : i32
    %sign3A_3 = arith.cmpi sgt, %mul3A_2, %sign3A : i32
    %sign3A_4 = arith.extui %sign3A_3 : i1 to i32
    %sign3A_5 = arith.constant 0 : i32
    %sign3A_6 = arith.cmpi slt, %mul3A_2, %sign3A_5 : i32
    %sign3A_7 = arith.extui %sign3A_6 : i1 to i32
    %sign3A_8 = arith.subi %sign3A_4, %sign3A_7 : i32
    %sign3A_9 = arith.constant 0 : i32
    %sign3A_10 = arith.cmpi sgt, %jit3A, %sign3A_9 : i32
    %sign3A_11 = arith.extui %sign3A_10 : i1 to i32
    %sign3A_12 = arith.constant 0 : i32
    %sign3A_13 = arith.cmpi slt, %jit3A, %sign3A_12 : i32
    %sign3A_14 = arith.extui %sign3A_13 : i1 to i32
    %sign3A_15 = arith.subi %sign3A_11, %sign3A_14 : i32
    %ne3A = arith.cmpi ne, %sign3A_8, %sign3A_15 : i32
    %rem3A = arith.remsi %mul3A_2, %jit3A : i32
    %ne3A_16 = arith.constant 0 : i32
    %ne3A_17 = arith.cmpi ne, %rem3A, %ne3A_16 : i32
    %and3A = arith.andi %ne3A, %ne3A_17 : i1
    %sub3A = arith.constant 1 : i32
    %sub3A_18 = arith.subi %div3A, %sub3A : i32
    %select_n3A = arith.select %and3A, %sub3A_18, %div3A : i32
    tpu.enqueue_dma source(%arg2 : memref<30000xf32, #tpu.memory_space<hbm>>) target(%arg5 : memref<30000xf32, #tpu.memory_space<vmem>>) target_semaphore(%arg8 : memref<!tpu.dma_semaphore, #tpu.memory_space<semaphore_mem>>)
    %dma_start3A = arith.constant 0 : i32
    %dma_start3A_19 = arith.constant 0 : i32
    %dma_start3A_20 = tpu.memref_slice %arg3[%select_n3A, %dma_start3A, %dma_start3A_19] : memref<2500x2x128xi32, #tpu.memory_space<hbm>> -> memref<79x2x128xi32, #tpu.memory_space<hbm>>
    %dma_start3A_21 = arith.constant 0 : i32
    %dma_start3A_22 = arith.constant 0 : i32
    %dma_start3A_23 = tpu.memref_slice %arg3[%select_n3A, %dma_start3A_21, %dma_start3A_22] : memref<2500x2x128xi32, #tpu.memory_space<hbm>> -> memref<79x2x128xi32, #tpu.memory_space<hbm>>
    tpu.enqueue_dma source(%dma_start3A_23 : memref<79x2x128xi32, #tpu.memory_space<hbm>>) target(%arg6 : memref<79x2x128xi32, #tpu.memory_space<vmem>>) target_semaphore(%arg8 : memref<!tpu.dma_semaphore, #tpu.memory_space<semaphore_mem>>)
    tpu.wait_dma2 semaphore(%arg8 : memref<!tpu.dma_semaphore, #tpu.memory_space<semaphore_mem>>) src(%arg2 : memref<30000xf32, #tpu.memory_space<hbm>>) dst(%arg5 : memref<30000xf32, #tpu.memory_space<vmem>>)
    %dma_wait3A = arith.constant 0 : i32
    %dma_wait3A_24 = arith.constant 0 : i32
    %dma_wait3A_25 = tpu.memref_slice %arg3[%select_n3A, %dma_wait3A, %dma_wait3A_24] : memref<2500x2x128xi32, #tpu.memory_space<hbm>> -> memref<79x2x128xi32, #tpu.memory_space<hbm>>
    %dma_wait3A_26 = arith.constant 0 : i32
    %dma_wait3A_27 = arith.constant 0 : i32
    %dma_wait3A_28 = tpu.memref_slice %arg3[%select_n3A, %dma_wait3A_26, %dma_wait3A_27] : memref<2500x2x128xi32, #tpu.memory_space<hbm>> -> memref<79x2x128xi32, #tpu.memory_space<hbm>>
    tpu.wait_dma2 semaphore(%arg8 : memref<!tpu.dma_semaphore, #tpu.memory_space<semaphore_mem>>) src(%dma_wait3A_28 : memref<79x2x128xi32, #tpu.memory_space<hbm>>) dst(%arg6 : memref<79x2x128xi32, #tpu.memory_space<vmem>>)
    %parallel_loop3A = arith.constant 0 : i32
    %parallel_loop3A_29 = arith.constant 632 : i32
    %parallel_loop3A_30 = arith.constant 1 : i32
    scf.for %parallel_loop3A_33 = %parallel_loop3A to %parallel_loop3A_29 step %parallel_loop3A_30  : i32 {
      %parallel_loop3A_34 = arith.constant 3 : i32
      %parallel_loop3A_35 = arith.shrsi %parallel_loop3A_33, %parallel_loop3A_34 : i32
      %parallel_loop3A_36 = arith.constant 7 : i32
      %parallel_loop3A_37 = arith.andi %parallel_loop3A_33, %parallel_loop3A_36 : i32
      %parallel_loop3A_38 = arith.constant 16 : i32
      %parallel_loop3A_39 = arith.muli %parallel_loop3A_37, %parallel_loop3A_38 : i32
      %parallel_loop3A_40 = arith.constant 0 : i32
      %parallel_loop3A_41 = arith.index_cast %parallel_loop3A_35 : i32 to index
      %parallel_loop3A_42 = arith.index_cast %parallel_loop3A_40 : i32 to index
      %parallel_loop3A_43 = arith.index_cast %parallel_loop3A_39 : i32 to index
      %parallel_loop3A_44 = tpu.vector_load %arg6[%parallel_loop3A_41, %parallel_loop3A_42, %parallel_loop3A_43] {strides = array<i32>} : memref<79x2x128xi32, #tpu.memory_space<vmem>>, vector<16xi32>,
      %parallel_loop3A_45 = arith.constant 1 : i32
      %parallel_loop3A_46 = arith.index_cast %parallel_loop3A_35 : i32 to index
      %parallel_loop3A_47 = arith.index_cast %parallel_loop3A_45 : i32 to index
      %parallel_loop3A_48 = arith.index_cast %parallel_loop3A_39 : i32 to index
      %parallel_loop3A_49 = tpu.vector_load %arg6[%parallel_loop3A_46, %parallel_loop3A_47, %parallel_loop3A_48] {strides = array<i32>} : memref<79x2x128xi32, #tpu.memory_space<vmem>>, vector<16xi32>,
      %parallel_loop3A_50 = arith.constant 0.000000e+00 : f32
      %parallel_loop3A_51 = vector.broadcast %parallel_loop3A_50 : f32 to vector<16xf32>
      %parallel_loop3A_52 = arith.constant 0 : i32
      %parallel_loop3A_53 = vector.broadcast %parallel_loop3A_52 : i32 to vector<16xi32>
      %parallel_loop3A_54 = arith.addi %parallel_loop3A_44, %parallel_loop3A_53 : vector<16xi32>
      %parallel_loop3A_55 = tpu.vector_load_idx %arg5[%parallel_loop3A_54] : memref<30000xf32, #tpu.memory_space<vmem>>[vector<16xi32>], vector<16xf32>,
      %parallel_loop3A_56 = arith.constant 0 : i32
      %parallel_loop3A_57 = vector.broadcast %parallel_loop3A_56 : i32 to vector<16xi32>
      %parallel_loop3A_58 = arith.addi %parallel_loop3A_49, %parallel_loop3A_57 : vector<16xi32>
      %parallel_loop3A_59 = tpu.vector_load_idx %arg5[%parallel_loop3A_58] : memref<30000xf32, #tpu.memory_space<vmem>>[vector<16xi32>], vector<16xf32>,
      %parallel_loop3A_60 = arith.subf %parallel_loop3A_55, %parallel_loop3A_59 : vector<16xf32>
      %parallel_loop3A_61 = arith.mulf %parallel_loop3A_60, %parallel_loop3A_60 : vector<16xf32>
      %parallel_loop3A_62 = arith.addf %parallel_loop3A_51, %parallel_loop3A_61 : vector<16xf32>
      %parallel_loop3A_63 = arith.constant 10000 : i32
      %parallel_loop3A_64 = vector.broadcast %parallel_loop3A_63 : i32 to vector<16xi32>
      %parallel_loop3A_65 = arith.addi %parallel_loop3A_44, %parallel_loop3A_64 : vector<16xi32>
      %parallel_loop3A_66 = tpu.vector_load_idx %arg5[%parallel_loop3A_65] : memref<30000xf32, #tpu.memory_space<vmem>>[vector<16xi32>], vector<16xf32>,
      %parallel_loop3A_67 = arith.constant 10000 : i32
      %parallel_loop3A_68 = vector.broadcast %parallel_loop3A_67 : i32 to vector<16xi32>
      %parallel_loop3A_69 = arith.addi %parallel_loop3A_49, %parallel_loop3A_68 : vector<16xi32>
      %parallel_loop3A_70 = tpu.vector_load_idx %arg5[%parallel_loop3A_69] : memref<30000xf32, #tpu.memory_space<vmem>>[vector<16xi32>], vector<16xf32>,
      %parallel_loop3A_71 = arith.subf %parallel_loop3A_66, %parallel_loop3A_70 : vector<16xf32>
      %parallel_loop3A_72 = arith.mulf %parallel_loop3A_71, %parallel_loop3A_71 : vector<16xf32>
      %parallel_loop3A_73 = arith.addf %parallel_loop3A_62, %parallel_loop3A_72 : vector<16xf32>
      %parallel_loop3A_74 = arith.constant 20000 : i32
      %parallel_loop3A_75 = vector.broadcast %parallel_loop3A_74 : i32 to vector<16xi32>
      %parallel_loop3A_76 = arith.addi %parallel_loop3A_44, %parallel_loop3A_75 : vector<16xi32>
      %parallel_loop3A_77 = tpu.vector_load_idx %arg5[%parallel_loop3A_76] : memref<30000xf32, #tpu.memory_space<vmem>>[vector<16xi32>], vector<16xf32>,
      %parallel_loop3A_78 = arith.constant 20000 : i32
      %parallel_loop3A_79 = vector.broadcast %parallel_loop3A_78 : i32 to vector<16xi32>
      %parallel_loop3A_80 = arith.addi %parallel_loop3A_49, %parallel_loop3A_79 : vector<16xi32>
      %parallel_loop3A_81 = tpu.vector_load_idx %arg5[%parallel_loop3A_80] : memref<30000xf32, #tpu.memory_space<vmem>>[vector<16xi32>], vector<16xf32>,
      %parallel_loop3A_82 = arith.subf %parallel_loop3A_77, %parallel_loop3A_81 : vector<16xf32>
      %parallel_loop3A_83 = arith.mulf %parallel_loop3A_82, %parallel_loop3A_82 : vector<16xf32>
      %parallel_loop3A_84 = arith.addf %parallel_loop3A_73, %parallel_loop3A_83 : vector<16xf32>
      %parallel_loop3A_85 = tpu.bitcast %parallel_loop3A_84 : vector<16xf32> -> vector<16xi32>
      %parallel_loop3A_86 = arith.constant 1 : i32
      %parallel_loop3A_87 = vector.broadcast %parallel_loop3A_86 : i32 to vector<16xi32>
      %parallel_loop3A_88 = arith.shrsi %parallel_loop3A_85, %parallel_loop3A_87 : vector<16xi32>
      %parallel_loop3A_89 = arith.constant 1597463007 : i32
      %parallel_loop3A_90 = vector.broadcast %parallel_loop3A_89 : i32 to vector<16xi32>
      %parallel_loop3A_91 = arith.subi %parallel_loop3A_90, %parallel_loop3A_88 : vector<16xi32>
      %parallel_loop3A_92 = tpu.bitcast %parallel_loop3A_91 : vector<16xi32> -> vector<16xf32>
      %parallel_loop3A_93 = arith.constant 5.000000e-01 : f32
      %parallel_loop3A_94 = vector.broadcast %parallel_loop3A_93 : f32 to vector<16xf32>
      %parallel_loop3A_95 = arith.mulf %parallel_loop3A_84, %parallel_loop3A_94 : vector<16xf32>
      %parallel_loop3A_96 = arith.mulf %parallel_loop3A_95, %parallel_loop3A_92 : vector<16xf32>
      %parallel_loop3A_97 = arith.mulf %parallel_loop3A_96, %parallel_loop3A_92 : vector<16xf32>
      %parallel_loop3A_98 = arith.constant 1.500000e+00 : f32
      %parallel_loop3A_99 = vector.broadcast %parallel_loop3A_98 : f32 to vector<16xf32>
      %parallel_loop3A_100 = arith.subf %parallel_loop3A_99, %parallel_loop3A_97 : vector<16xf32>
      %parallel_loop3A_101 = arith.mulf %parallel_loop3A_92, %parallel_loop3A_100 : vector<16xf32>
      %parallel_loop3A_102 = arith.mulf %parallel_loop3A_95, %parallel_loop3A_101 : vector<16xf32>
      %parallel_loop3A_103 = arith.mulf %parallel_loop3A_102, %parallel_loop3A_101 : vector<16xf32>
      %parallel_loop3A_104 = arith.constant 1.500000e+00 : f32
      %parallel_loop3A_105 = vector.broadcast %parallel_loop3A_104 : f32 to vector<16xf32>
      %parallel_loop3A_106 = arith.subf %parallel_loop3A_105, %parallel_loop3A_103 : vector<16xf32>
      %parallel_loop3A_107 = arith.mulf %parallel_loop3A_101, %parallel_loop3A_106 : vector<16xf32>
      %parallel_loop3A_108 = arith.mulf %parallel_loop3A_84, %parallel_loop3A_107 : vector<16xf32>
      %parallel_loop3A_109 = arith.constant 16 : i32
      %parallel_loop3A_110 = arith.muli %parallel_loop3A_33, %parallel_loop3A_109 : i32
      %parallel_loop3A_111 = arith.index_cast %parallel_loop3A_110 : i32 to index
      %parallel_loop3A_112 = tpu.vector_load %arg7[%parallel_loop3A_111] {strides = array<i32>} : memref<10112xf32, #tpu.memory_space<vmem>>, vector<16xf32>,
      tpu.vector_store %arg7[%parallel_loop3A_111], %parallel_loop3A_108 {strides = array<i32>} : memref<10112xf32, #tpu.memory_space<vmem>>, vector<16xf32>,
    } {sc.loop_unroll_factor = 2 : i64, sc.parallel_access}
    %mul3A_31 = arith.constant 128 : i32
    %mul3A_32 = arith.muli %select_n3A, %mul3A_31 : i32
    "tpu.region"() ({
      %run_scoped3A = tpu.sem_alloc : memref<!tpu.dma_semaphore, #tpu.memory_space<semaphore_mem>>
      %dma_start3A_33 = tpu.memref_slice %arg4[%mul3A_32] : memref<320000xf32, #tpu.memory_space<hbm>> -> memref<10112xf32, #tpu.memory_space<hbm>>
      %dma_start3A_34 = tpu.memref_slice %arg4[%mul3A_32] : memref<320000xf32, #tpu.memory_space<hbm>> -> memref<10112xf32, #tpu.memory_space<hbm>>
      tpu.enqueue_dma source(%arg7 : memref<10112xf32, #tpu.memory_space<vmem>>) target(%dma_start3A_34 : memref<10112xf32, #tpu.memory_space<hbm>>) target_semaphore(%run_scoped3A : memref<!tpu.dma_semaphore, #tpu.memory_space<semaphore_mem>>)
      %dma_wait3A_35 = tpu.memref_slice %arg4[%mul3A_32] : memref<320000xf32, #tpu.memory_space<hbm>> -> memref<10112xf32, #tpu.memory_space<hbm>>
      %dma_wait3A_36 = tpu.memref_slice %arg4[%mul3A_32] : memref<320000xf32, #tpu.memory_space<hbm>> -> memref<10112xf32, #tpu.memory_space<hbm>>
      tpu.wait_dma2 semaphore(%run_scoped3A : memref<!tpu.dma_semaphore, #tpu.memory_space<semaphore_mem>>) src(%arg7 : memref<10112xf32, #tpu.memory_space<vmem>>) dst(%dma_wait3A_36 : memref<10112xf32, #tpu.memory_space<hbm>>)
      tpu.yield
    }) : () -> ()
    return
  }
}

</mosaic_0001>

<sc_bundles>
// kernel: kernel.3.cloned.1.call-start
scs
__scs_entry_jumppad:
0x0: {  	(pc) =	sbr.rel $0x88, $3  }
0x1: {  	(tag) =	ssettag $0x0;
	lr =	simm.s32 $0x1  }
0x2: {  	[smem:$0x3F9E] =	sst lr;
	_ =	strace $0xD0000000  }
0x3: {  	_ = 	snop  }
0x4: {  	_ = 	snop  }
0x5: {  	_ = 	snop  }
0x6: {  	_ = 	snop  }
0x7: {  	_ = 	snop  }
__scs_overlays_trampoline_lowered:
0x8: {  	[smem:$0x3FAD] =	sst s0  }
0x9: {  	[smem:$0x3FAE] =	sst s1  }
0xa: {  	[smem:$0x3FAF] =	sst s2  }
0xb: {  	[smem:$0x3FB0] =	sst s3  }
0xc: {  	[smem:$0x3FB1] =	sst s4  }
0xd: {  	[smem:$0x3FB2] =	sst s5  }
0xe: {  	[smem:$0x3FB3] =	sst s6  }
0xf: {  	[smem:$0x3FB4] =	sst s7  }
0x10: {  	[smem:$0x3FB5] =	sst s8  }
0x11: {  	[smem:$0x3FB6] =	sst s9;
	s0 =	simm.s32 @!p0 $0x0  }
0x12: {  	s1 =	sld [smem:$0x3F9C];
	s0 =	simm.s32 @p0 $0x1  }
0x13: {  	[smem:$0x3FB7] =	sst s0;
	s0 =	simm.s32 @!p1 $0x0  }
0x14: {  	s2 =	sld [smem:$0x3F9B];
	s0 =	simm.s32 @p1 $0x1  }
0x15: {  	[smem:$0x3FB8] =	sst s0;
	s0 =	simm.s32 @!p2 $0x0  }
0x16: {  	s3 =	sld [smem:$0x3FDB];
	s0 =	simm.s32 @p2 $0x1  }
0x17: {  	s4 =	simm.s32 $0x1BF5;
	[smem:$0x3FBA] =	sst s0  }
0x18: {  	s0 =	sld [smem:$0x3F9D];
	_ =	swait.ge [sflag:s4], $0x0  }
0x19: {  	s7 =	sld [smem:$0x3F9E]  }
0x1a: {  	s8 =	sadd.s32 $0xFFFFE003, lr  }
0x1b: {  	s9 =	sadd.s32 $0xFFFFFEF7, lr;
	s5 =	simm.s32 $0xFFFFFFFF;
	p2 =	slt.u32 s8, $0xFFFFF086  }
0x1c: {  	p1 =	slt.u32 s9, $0xF7A;
	s5 =	simm.s32 @!p2 $0x0  }
0x1d: {  	s5 =	simm.s32 @p1 $0x1;
	p0 =	seq.s32 s7, s2  }
0x1e: {  	s7 =	smul.u32 @!p0 $0xF7A, s2;
	p2 =	seq.s32 @!p0 s5, $0x0  }
0x1f: {  	s9 =	smul.u32 $0xF7A, s1;
	s8 =	simm.s32 @!p0 $0x1BF5;
	p2 =	por !p2, p0  }
0x20: {  	[sflag:s8] =	ssyncset.s32 @!p0 $0xFFFFF086;
	s6 =	sadd.s32 @!p0 s3, s7;
	s7 =	simm.s32 @!p0 $0x108  }
0x21: {  	s3 =	sadd.s32 s3, s9;
	s6 =	sadd.s32 @!p0 $0x88, s6;
	s7 =	simm.s32 @p2 $0x1082  }
0x22: {  	[simem:s7], [sflag:s8] =	dma.local @!p0 [hbm:s6], $0xF7A  }
0x23: {  	s9 =	sor.u32 $0xD0000000, s2;
	s6 =	simm.s32 $0x108;
	_ =	swait.ge @!p0 [sflag:s8], $0x0  }
0x24: {  	s3 =	sadd.s32 $0x88, s3;
	s6 =	simm.s32 @!p1 $0x1082;
	[sflag:s4] =	ssyncset.s32 $0xFFFFF086  }
0x25: {  	[simem:s6], [sflag:s4] =	dma.local [hbm:s3], $0xF7A  }
0x26: {  	[smem:$0x3F9E] =	sst s1;
	(tag) =	ssettag s2;
	_ =	strace s9  }
0x27: {  	s1 =	sld [smem:$0x3FAE]  }
0x28: {  	s2 =	sld [smem:$0x3FAF]  }
0x29: {  	s4 =	sld [smem:$0x3FB1]  }
0x2a: {  	p0 =	seq.s32 s5, $0x0;
	s5 =	sld [smem:$0x3FB2]  }
0x2b: {  	s6 =	sld [smem:$0x3FB3]  }
0x2c: {  	s7 =	sld [smem:$0x3FB4]  }
0x2d: {  	s3 =	simm.s32 $0x108;
	s8 =	sld [smem:$0x3FB5]  }
0x2e: {  	s3 =	simm.s32 @!p0 $0x1082;
	s9 =	sld [smem:$0x3FB6]  }
0x2f: {  	lr =	sadd.s32 s0, s3;
	s0 =	sld [smem:$0x3FAD]  }
0x30: {  	s3 =	sld [smem:$0x3FB0]  }
0x31: {  	[smem:$0x3FB9] =	sst s10  }
0x32: {  	s10 =	sld [smem:$0x3FB7];
	_ =	sdelay $0x3  }
0x33: {  	p0 =	seq.s32 s10, $0x1;
	s10 =	sld [smem:$0x3FB9];
	_ =	sdelay $0x3  }
0x34: {  	[smem:$0x3FB9] =	sst s10  }
0x35: {  	s10 =	sld [smem:$0x3FB8];
	_ =	sdelay $0x3  }
0x36: {  	p1 =	seq.s32 s10, $0x1;
	s10 =	sld [smem:$0x3FB9];
	_ =	sdelay $0x3  }
0x37: {  	[smem:$0x3FB9] =	sst s10  }
0x38: {  	s10 =	sld [smem:$0x3FBA]  }
0x39: {  	_ = 	snop;
	(pc) =	sbr.ind lr, $3  }
0x3a: {  	_ = 	snop  }
0x3b: {  	_ = 	snop  }
0x3c: {  	p2 =	seq.s32 s10, $0x1;
	s10 =	sld [smem:$0x3FB9]  }
0x3d: {  	_ =	shalt  }
0x3e: {  	_ =	shalt  }
0x3f: {  	_ =	shalt  }
0x40: {  	_ =	shalt  }
0x41: {  	_ =	shalt  }
0x42: {  	_ =	shalt  }
0x43: {  	_ =	shalt  }
0x44: {  	_ =	shalt  }
0x45: {  	_ =	shalt  }
0x46: {  	_ =	shalt  }
0x47: {  	_ =	shalt  }
0x48: {  	_ =	shalt  }
0x49: {  	_ =	shalt  }
0x4a: {  	_ =	shalt  }
0x4b: {  	_ =	shalt  }
0x4c: {  	_ =	shalt  }
0x4d: {  	_ =	shalt  }
0x4e: {  	_ =	shalt  }
0x4f: {  	_ =	shalt  }
0x50: {  	_ =	shalt  }
0x51: {  	_ =	shalt  }
0x52: {  	_ =	shalt  }
0x53: {  	_ =	shalt  }
0x54: {  	_ =	shalt  }
0x55: {  	_ =	shalt  }
0x56: {  	_ =	shalt  }
0x57: {  	_ =	shalt  }
0x58: {  	_ =	shalt  }
0x59: {  	_ =	shalt  }
0x5a: {  	_ =	shalt  }
0x5b: {  	_ =	shalt  }
0x5c: {  	_ =	shalt  }
0x5d: {  	_ =	shalt  }
0x5e: {  	_ =	shalt  }
0x5f: {  	_ =	shalt  }
0x60: {  	_ =	shalt  }
0x61: {  	_ =	shalt  }
0x62: {  	_ =	shalt  }
0x63: {  	_ =	shalt  }
0x64: {  	_ =	shalt  }
0x65: {  	_ =	shalt  }
0x66: {  	_ =	shalt  }
0x67: {  	_ =	shalt  }
0x68: {  	_ =	shalt  }
0x69: {  	_ =	shalt  }
0x6a: {  	_ =	shalt  }
0x6b: {  	_ =	shalt  }
0x6c: {  	_ =	shalt  }
0x6d: {  	_ =	shalt  }
0x6e: {  	_ =	shalt  }
0x6f: {  	_ =	shalt  }
0x70: {  	_ =	shalt  }
0x71: {  	_ =	shalt  }
0x72: {  	_ =	shalt  }
0x73: {  	_ =	shalt  }
0x74: {  	_ =	shalt  }
0x75: {  	_ =	shalt  }
0x76: {  	_ =	shalt  }
0x77: {  	_ =	shalt  }
0x78: {  	_ =	shalt  }
0x79: {  	_ =	shalt  }
0x7a: {  	_ =	shalt  }
0x7b: {  	_ =	shalt  }
0x7c: {  	_ =	shalt  }
0x7d: {  	_ =	shalt  }
0x7e: {  	_ =	shalt  }
0x7f: {  	_ =	shalt  }
0x80: {  	_ =	shalt  }
0x81: {  	_ =	shalt  }
0x82: {  	_ =	shalt  }
0x83: {  	_ =	shalt  }
0x84: {  	_ =	shalt  }
0x85: {  	_ =	shalt  }
0x86: {  	_ =	shalt  }
0x87: {  	_ =	shalt  }
.Lfunc_end0:
.L_simem_size_0:
called_computation_lowered:
.L_overlay_start_0:
0x88: {  	s2 =	sld [smem:$0x3FD9]  }
0x89: {  	s3 =	sld [smem:$0x3FFE];
	_ =	sdelay $0x1  }
0x8a: {  	s1 =	srdreg.scid  }
0x8b: {  	s0 =	sand.u32 $0x1, s1  }
0x8c: {  	s17 =	sshll.u32 s0, $0xA;
	s2 =	sadd.s32 s3, s2  }
0x8d: {  	s2 =	sadd.s32 s2, s17  }
0x8e: {  	[smem:$0x3FC5] =	sst s2  }
0x8f: {  	_ = 	snop  }
0x90: {  	s2 =	sld [smem:$0x3FC7];
	(tm) =	ssettm $0x1  }
0x91: {  	s18 =	sld [smem:$0x3FFB];
	_ =	sdelay $0x3  }
0x92: {  	_ =	strace s18  }
0x93: {  	s3 =	sld [smem:$0x3FFC];
	_ =	sdelay $0x3  }
0x94: {  	_ =	strace s3  }
0x95: {  	s3 =	sld [smem:$0x3FFD];
	_ =	sdelay $0x3  }
0x96: {  	_ =	strace s3  }
0x97: {  	_ =	strace $0x8FFFFFFF  }
0x98: {  	s19 =	sld [smem:$0x3FDB];
	_ =	sdelay $0x1  }
0x99: {  	s4 =	simm.s32 $_scs_section_size  }
0x9a: {  	s5 =	simm.s32 $_size__tile_overlayer_lowered;
	s6 =	simm.s32 $_tile_overlayer_lowered  }
0x9b: {  	s22 =	simm.s32 $0x1BFF;
	s21 =	sshll.u32 s6, $0x1;
	s3 =	sadd.s32 s4, s19  }
0x9c: {  	s7 =	simm.s32 $0x0;
	s20 =	sshll.u32 s5, $0x1;
	s5 =	sadd.s32 s21, s3  }
0x9d: {  	[timem:s7], [sflag:s22] =	dma.local [hbm:s5], s20  }
0x9e: {  	_ =	swait.ge [sflag:s22], s20  }
0x9f: {  	s4 =	ssub.s32 $0x0, s20;
	[sflag:s22] =	ssyncset.done $0x0  }
0xa0: {  	[sflag:s22] =	ssyncadd.s32 s4;
	_ =	sdelay $0x1  }
0xa1: {  	s23 =	simm.s32 $0x1B8B  }
0xa2: {  	_ =	swait.ge [sflag:s23], $0x1  }
0xa3: {  	[sflag:s23] =	ssyncset.done $0x0  }
0xa4: {  	s25 =	simm.s32 $0x1B8E;
	s24 =	sld [smem:$0x3FFE];
	[sflag:s23] =	ssyncadd.s32 $0xFFFFFFFF  }
0xa5: {  	s26 =	simm.s32 $execute0_lowered;
	[smem:$0x3FD2] =	sst s25  }
0xa6: {  	s5 =	sshll.u32 s26, $0x1;
	_ =	strace $0x80000046;
	[dreg:$0x1] =	wrdreg $0xFFFFFFFF  }
0xa7: {  	s28 =	simm.s32 $_size_execute0_lowered;
	s3 =	sadd.s32 s3, s5;
	[dreg:$0x0] =	wrdreg $0x0  }
0xa8: {  	s5 =	sshll.u32 s28, $0x1;
	[dreg:$0x2] =	wrdreg s3  }
0xa9: {  	[dreg:$0x3] =	wrdreg s5  }
0xaa: {  	[dreg:$0x4] =	wrdreg $0xC0  }
0xab: {  	_ =	task [dreg:s7], $0x5FFFF  }
0xac: {  	[dreg:$0x1] =	wrdreg $0xFFFFFFFF  }
0xad: {  	[dreg:$0x0] =	wrdreg $0x60  }
0xae: {  	[dreg:$0x2] =	wrdreg s24  }
0xaf: {  	[dreg:$0x3] =	wrdreg s2  }
0xb0: {  	[dreg:$0x4] =	wrdreg $0x9  }
0xb1: {  	_ =	task.clear_ibuf [dreg:s7], $0x5FFFF;
	_ =	strace $0x90000046  }
0xb2: {  	s29 =	simm.s32 $0x9;
	_ =	strace $0x80000048  }
0xb3: {  	_ =	swait.ge [sflag:s29], $0x1  }
0xb4: {  	[sflag:s29] =	ssyncadd.s32 $0xFFFFFFFF  }
0xb5: {  	_ =	strace $0x90000048  }
0xb6: {  	_ =	sfence  }
0xb7: {  	s30 =	sld [smem:$0x0];
	_ =	sdelay $0x2  }
0xb8: {  	s31 =	sshll.u32 s1, $0xD;
	s1 =	sshrl.u32 s1, $0x2  }
0xb9: {  	s3 =	sand.u32 $0x4000, s31;
	s1 =	sadd.s32 s1, s30  }
0xba: {  	s0 =	sor.u32 s3, s0;
	s1 =	sshll.u32 s1, $0x11  }
0xbb: {  	s0 =	sor.u32 s1, s0  }
0xbc: {  	s0 =	sadd.s32 $0x8F2B, s0  }
0xbd: {  	[sflag:s0] =	ssyncadd.remote.s32 $0x1  }
0xbe: {  	_ =	sfence.sel $0xFFFF  }
0xbf: {  	[dreg:$0x0] =	wrdreg $0xFFFFFFFF;
	(pc) =	sbr.abs _section_cstart, $3  }
0xc0: {  	[dreg:$0x1] =	wrdreg $0xFFFFFFFF  }
0xc1: {  	_ =	task.clear_ibuf [dreg:s7], $0x2FFFF;
	_ =	strace $0x9FFFFFFF  }
0xc2: {  	(tm) =	ssettm $0x7FFFFFFF  }
0xc3: {  	_ =	shalt  }
tec
execute0_lowered:
.L_overlay_start_1:
0x0: {  	(tag) =	ssettag $0x1  }
0x1: {  	s1 =	srdreg.scid;
	s0 =	stileid.u32  }
0x2: {  	s4 =	sand.u32 $0x1, s1;
	s30 =	sshll.u32 s0, $0x1  }
0x3: {  	s1 =	sor.u32 s4, s30  }
0x4: {  	s5 =	rddreg [dreg:$0x0];
	s3 =	smul.u32 $0x975, s1  }
0x5: {  	s6 =	rddreg [dreg:$0x1];
	s2 =	simm.s32 $0x0;
	s9 =	simm.s32 $0xC430  }
0x6: {  	s10 =	simm.s32 $0x2;
	[smem:$0x7FF] =	sst s2;
	s7 =	smulhi.u32 $0x8421085, s3  }
0x7: {  	s11 =	simm.s32 $0x0;
	s4 =	ssub.s32 $0x2, s4;
	s1 =	rddreg [dreg:$0x2]  }
0x8: {  	_ =	strace $0x80000047;
	s31 =	sshrl.u32 s4, $0x1;
	s8 =	sshll.u32 s7, $0x4  }
0x9: {  	s3 =	sadd.s32 $0xE00, s5;
	s7 =	sshll.u32 s7, $0x5;
	s5 =	sadd.s32 s8, s5  }
0xa: {  	s8 =	ssub.s32 s4, s31;
	s4 =	sadd.s32 s6, s7;
	s7 =	simm.s32 $0x7530  }
0xb: {  	s5 =	sadd.s32 $0x1E00, s5;
	s6 =	smax.u32 s8, $0x1;
	s8 =	simm.s32 $0x1  }
.LBB2_1:
0xc: {  	[tilespmem:s2], [sflag:$0x1] =	stream.linear.gather [hbm4b:s3+s2], $0x7530, $0x38;
	[tilespmem:$0xEBB0] =	vst v63  }
0xd: {  	_ = 	snop  }
0xe: {  	[tilespmem:s7], [sflag:$0x1] =	stream.linear.gather [hbm4b:s4+s2], $0x4F00, $0x38;
	[tilespmem:$0xEBB0] =	vst v63  }
0xf: {  	_ =	swait.ge [sflag:s8], $0x7530  }
0x10: {  	[sflag:s8] =	ssyncset.done $0x0  }
0x11: {  	s12 =	simm.s32 $0x10;
	[sflag:s8] =	ssyncadd.s32 $0xFFFF8AD0  }
0x12: {  	s13 =	sand.u32 $0x7F00, s2;
	s14 =	simm.s32 $0x0;
	_ =	swait.ge [sflag:s8], $0x4F00  }
0x13: {  	s13 =	sadd.s32 $0x7530, s13;
	s12 =	sand.u32 $0x70, s12;
	[sflag:s8] =	ssyncset.done $0x0  }
0x14: {  	s14 =	sand.u32 $0x60, s14;
	s12 =	sadd.s32 s12, s13;
	[sflag:s8] =	ssyncadd.s32 $0xFFFFB100  }
0x15: {  	s13 =	sadd.s32 s14, s13;
	v0 =	vld [tilespmem:s12+$0x80]  }
0x16: {  	s19 =	simm.s32 $0x40;
	v1 =	vld [tilespmem:s13+$0x80]  }
0x17: {  	s20 =	simm.s32 $0x30;
	v3 =	vld [tilespmem:s12+$0x0];
	s12 =	sand.u32 $0x7F00, s19  }
0x18: {  	s21 =	simm.s32 $0x20;
	v2 =	vld [tilespmem:s13+$0x0];
	s13 =	sand.u32 $0x70, s20;
	s12 =	sadd.s32 $0x7530, s12  }
0x19: {  	s14 =	sand.u32 $0x60, s21;
	s13 =	sadd.s32 s13, s12  }
0x1a: {  	s12 =	sadd.s32 s14, s12;
	v12 =	vld [tilespmem:s13+$0x80]  }
0x1b: {  	s22 =	simm.s32 $0x80;
	v13 =	vld [tilespmem:s12+$0x80]  }
0x1c: {  	s23 =	simm.s32 $0x50;
	v14 =	vld [tilespmem:s12+$0x0];
	s12 =	sand.u32 $0x7F00, s22  }
0x1d: {  	s24 =	simm.s32 $0x40;
	v15 =	vld [tilespmem:s13+$0x0];
	s13 =	sand.u32 $0x70, s23;
	s12 =	sadd.s32 $0x7530, s12  }
0x1e: {  	s14 =	sand.u32 $0x60, s24;
	s13 =	sadd.s32 s13, s12  }
0x1f: {  	s12 =	sadd.s32 s14, s12;
	v24 =	vld [tilespmem:s13+$0x80]  }
0x20: {  	v25 =	vld [tilespmem:s12+$0x80]  }
0x21: {  	v26 =	vld [tilespmem:s12+$0x0]  }
0x22: {  	v4 =	vadd.s32 $0x2710, v0;
	v27 =	vld [tilespmem:s13+$0x0]  }
0x23: {  	v5 =	vadd.s32 $0x2710, v1;
	v6 =	vld.idx.msk [tilespmem:v0+s2+$0x0], $0xffff  }
0x24: {  	v7 =	vadd.s32 $0x2710, v2;
	v8 =	vld.idx.msk [tilespmem:v1+s2+$0x0], $0xffff  }
0x25: {  	v9 =	vadd.s32 $0x2710, v3;
	v10 =	vld.idx.msk [tilespmem:v2+s2+$0x0], $0xffff  }
0x26: {  	v11 =	vld.idx.msk [tilespmem:v3+s2+$0x0], $0xffff  }
0x27: {  	v4 =	vld.idx.msk [tilespmem:v4+s2+$0x0], $0xffff  }
0x28: {  	v5 =	vld.idx.msk [tilespmem:v5+s2+$0x0], $0xffff  }
0x29: {  	v7 =	vld.idx.msk [tilespmem:v7+s2+$0x0], $0xffff  }
0x2a: {  	v3 =	vadd.s32 $0x4E20, v3;
	v9 =	vld.idx.msk [tilespmem:v9+s2+$0x0], $0xffff  }
0x2b: {  	v0 =	vadd.s32 $0x4E20, v0;
	v18 =	vld.idx.msk [tilespmem:v12+s2+$0x0], $0xffff  }
0x2c: {  	v1 =	vadd.s32 $0x4E20, v1;
	v20 =	vld.idx.msk [tilespmem:v13+s2+$0x0], $0xffff  }
0x2d: {  	v2 =	vadd.s32 $0x4E20, v2;
	v22 =	vld.idx.msk [tilespmem:v14+s2+$0x0], $0xffff  }
0x2e: {  	v16 =	vadd.s32 $0x2710, v12;
	v23 =	vld.idx.msk [tilespmem:v15+s2+$0x0], $0xffff  }
0x2f: {  	v17 =	vadd.s32 $0x2710, v13;
	v3 =	vld.idx.msk [tilespmem:v3+s2+$0x0], $0xffff  }
0x30: {  	v19 =	vadd.s32 $0x2710, v14;
	v0 =	vld.idx.msk [tilespmem:v0+s2+$0x0], $0xffff  }
0x31: {  	v21 =	vadd.s32 $0x2710, v15;
	v1 =	vld.idx.msk [tilespmem:v1+s2+$0x0], $0xffff  }
0x32: {  	v15 =	vadd.s32 $0x4E20, v15;
	v2 =	vld.idx.msk [tilespmem:v2+s2+$0x0], $0xffff  }
0x33: {  	v12 =	vadd.s32 $0x4E20, v12;
	v16 =	vld.idx.msk [tilespmem:v16+s2+$0x0], $0xffff  }
0x34: {  	v13 =	vadd.s32 $0x4E20, v13;
	v17 =	vld.idx.msk [tilespmem:v17+s2+$0x0], $0xffff  }
0x35: {  	v14 =	vadd.s32 $0x4E20, v14;
	v19 =	vld.idx.msk [tilespmem:v19+s2+$0x0], $0xffff  }
0x36: {  	v21 =	vld.idx.msk [tilespmem:v21+s2+$0x0], $0xffff  }
0x37: {  	v8 =	vsub.f32 v10, v8;
	v10 =	vld.idx.msk [tilespmem:v15+s2+$0x0], $0xffff  }
0x38: {  	v5 =	vsub.f32 v7, v5;
	v7 =	vld.idx.msk [tilespmem:v12+s2+$0x0], $0xffff  }
0x39: {  	v6 =	vsub.f32 v11, v6;
	v11 =	vld.idx.msk [tilespmem:v13+s2+$0x0], $0xffff  }
0x3a: {  	v12 =	vld.idx.msk [tilespmem:v14+s2+$0x0], $0xffff;
	v13 =	vadd.s32 $0x2710, v25  }
0x3b: {  	v8 =	vmul.f32 v8, v8;
	v4 =	vsub.f32 v9, v4;
	v9 =	vadd.s32 $0x2710, v24;
	v14 =	vld.idx.msk [tilespmem:v24+s2+$0x0], $0xffff  }
0x3c: {  	s25 =	simm.s32 $0xC0;
	v6 =	vmul.f32 v6, v6;
	v15 =	vsub.f32 v22, v20;
	v22 =	vld.idx.msk [tilespmem:v26+s2+$0x0], $0xffff;
	v5 =	vmul.f32 v5, v5  }
0x3d: {  	s26 =	simm.s32 $0x70;
	s28 =	simm.s32 $0x60;
	s12 =	sand.u32 $0x7F00, s25;
	v20 =	vadd.s32 $0x2710, v27;
	v1 =	vsub.f32 v2, v1;
	v0 =	vsub.f32 v3, v0;
	v3 =	vld.idx.msk [tilespmem:v27+s2+$0x0], $0xffff  }
0x3e: {  	s14 =	sand.u32 $0x60, s28;
	s13 =	sand.u32 $0x70, s26;
	s12 =	sadd.s32 $0x7530, s12;
	v2 =	vmul.f32 v4, v4;
	v4 =	vadd.f32 v5, v8;
	v5 =	vadd.s32 $0x2710, v26;
	v8 =	vld.idx.msk [tilespmem:v25+s2+$0x0], $0xffff  }
0x3f: {  	s13 =	sadd.s32 s13, s12;
	s12 =	sadd.s32 s14, s12;
	v18 =	vsub.f32 v23, v18;
	v23 =	vadd.s32 $0x4E20, v26;
	v1 =	vmul.f32 v1, v1;
	v13 =	vld.idx.msk [tilespmem:v13+s2+$0x0], $0xffff  }
0x40: {  	v15 =	vmul.f32 v15, v15;
	v6 =	vadd.f32 v2, v6;
	v7 =	vsub.f32 v10, v7;
	v10 =	vld [tilespmem:s12+$0x80]  }
0x41: {  	v0 =	vmul.f32 v0, v0;
	v11 =	vsub.f32 v12, v11;
	v12 =	vld [tilespmem:s12+$0x0];
	v2 =	vadd.f32 v1, v4  }
0x42: {  	v1 =	vld.idx.msk [tilespmem:v9+s2+$0x0], $0xffff;
	v4 =	vsub.f32 v19, v17;
	v9 =	vsub.f32 v21, v16;
	v16 =	vadd.s32 $0x4E20, v24  }
0x43: {  	v17 =	vadd.s32 $0x4E20, v25;
	v21 =	vld.idx.msk [tilespmem:v5+s2+$0x0], $0xffff;
	v5 =	vmul.f32 v18, v18;
	v18 =	vadd.s32 $0x4E20, v27  }
0x44: {  	v25 =	vld [tilespmem:s13+$0x80];
	v14 =	vsub.f32 v3, v14;
	v7 =	vmul.f32 v7, v7;
	v9 =	vmul.f32 v9, v9  }
0x45: {  	v20 =	vld.idx.msk [tilespmem:v20+s2+$0x0], $0xffff;
	v19 =	vmul.f32 $5.000000000e-01, v2;
	v24 =	vshra.s32 v2, $0x1;
	v4 =	vmul.f32 v4, v4  }
0x46: {  	v24 =	vsub.s32 $0x5F3759DF, v24;
	v9 =	vadd.f32 v9, v5;
	v5 =	vadd.f32 v0, v6;
	v6 =	vld [tilespmem:s13+$0x0]  }
0x47: {  	v4 =	vadd.f32 v4, v15;
	v0 =	vsub.f32 v22, v8;
	v8 =	vmul.f32 v11, v11;
	v16 =	vld.idx.msk [tilespmem:v16+s2+$0x0], $0xffff  }
0x48: {  	v14 =	vmul.f32 v14, v14;
	v26 =	vmul.f32 v24, v19;
	v27 =	vadd.s32 $0x2710, v10;
	v15 =	vld.idx.msk [tilespmem:v18+s2+$0x0], $0xffff  }
0x49: {  	v28 =	vadd.s32 $0x2710, v12;
	v18 =	vmul.f32 v0, v0;
	v0 =	vadd.f32 v8, v4;
	v8 =	vld.idx.msk [tilespmem:v17+s2+$0x0], $0xffff  }
0x4a: {  	s29 =	simm.s32 $0x100;
	v1 =	vsub.f32 v20, v1;
	v11 =	vmul.f32 v24, v26;
	v4 =	vsub.f32 v21, v13;
	v21 =	vld.idx.msk [tilespmem:v23+s2+$0x0], $0xffff  }
0x4b: {  	s30 =	simm.s32 $0x90;
	s31 =	simm.s32 $0x80;
	s12 =	sand.u32 $0x7F00, s29;
	v3 =	vshra.s32 v5, $0x1;
	v22 =	vmul.f32 $5.000000000e-01, v5;
	v17 =	vadd.s32 $0x2710, v25;
	v30 =	vld.idx.msk [tilespmem:v12+s2+$0x0], $0xffff  }
0x4c: {  	s14 =	sand.u32 $0x60, s31;
	s12 =	sadd.s32 $0x7530, s12;
	s13 =	sand.u32 $0x70, s30;
	v26 =	vsub.s32 $0x5F3759DF, v3;
	v23 =	vadd.s32 $0x4E20, v25;
	v20 =	vld.idx.msk [tilespmem:v25+s2+$0x0], $0xffff;
	v11 =	vsub.f32 $1.500000000e+00, v11  }
0x4d: {  	s13 =	sadd.s32 s13, s12;
	s12 =	sadd.s32 s14, s12;
	v1 =	vmul.f32 v1, v1;
	v13 =	vmul.f32 v26, v22;
	v25 =	vadd.s32 $0x4E20, v10;
	v10 =	vld.idx.msk [tilespmem:v10+s2+$0x0], $0xffff  }
0x4e: {  	v31 =	vadd.s32 $0x4E20, v12;
	v3 =	vmul.f32 $5.000000000e-01, v0;
	v34 =	vmul.f32 v24, v11;
	v24 =	vld [tilespmem:s12+$0x80]  }
0x4f: {  	v29 =	vadd.s32 $0x2710, v6;
	v12 =	vshra.s32 v0, $0x1;
	v32 =	vadd.s32 $0x4E20, v6;
	v6 =	vld.idx.msk [tilespmem:v6+s2+$0x0], $0xffff  }
0x50: {  	v14 =	vadd.f32 v1, v14;
	v1 =	vmul.f32 v4, v4;
	v13 =	vmul.f32 v26, v13;
	v33 =	vld.idx.msk [tilespmem:v17+s2+$0x0], $0xffff  }
0x51: {  	v4 =	vadd.f32 v7, v9;
	v12 =	vsub.s32 $0x5F3759DF, v12;
	v17 =	vld.idx.msk [tilespmem:v27+s2+$0x0], $0xffff;
	v8 =	vsub.f32 v21, v8  }
0x52: {  	v15 =	vsub.f32 v15, v16;
	v16 =	vmul.f32 v12, v3;
	v27 =	vld.idx.msk [tilespmem:v28+s2+$0x0], $0xffff;
	v7 =	vsub.f32 $1.500000000e+00, v13  }
0x53: {  	v13 =	vld [tilespmem:s13+$0x80];
	v9 =	vsub.f32 v30, v10;
	v8 =	vmul.f32 v8, v8  }
0x54: {  	v1 =	vadd.f32 v1, v18;
	v28 =	vld [tilespmem:s12+$0x0];
	v35 =	vmul.f32 v12, v16;
	v36 =	vmul.f32 v26, v7  }
0x55: {  	v18 =	vld.idx.msk [tilespmem:v29+s2+$0x0], $0xffff;
	v16 =	vmul.f32 v9, v9;
	v9 =	vmul.f32 $5.000000000e-01, v4  }
0x56: {  	v29 =	vld [tilespmem:s13+$0x0];
	v26 =	vadd.s32 $0x2710, v24;
	v1 =	vadd.f32 v8, v1;
	v8 =	vadd.s32 $0x4E20, v24  }
0x57: {  	v21 =	vld.idx.msk [tilespmem:v32+s2+$0x0], $0xffff;
	v32 =	vsub.f32 $1.500000000e+00, v35;
	v11 =	vsub.f32 v6, v20;
	v6 =	vshra.s32 v4, $0x1  }
0x58: {  	v37 =	vsub.f32 v27, v17;
	v17 =	vmul.f32 v15, v15;
	v38 =	vadd.s32 $0x2710, v13  }
0x59: {  	v23 =	vld.idx.msk [tilespmem:v23+s2+$0x0], $0xffff;
	v7 =	vadd.s32 $0x4E20, v13;
	v10 =	vsub.s32 $0x5F3759DF, v6;
	v6 =	vmul.f32 v34, v19  }
0x5a: {  	v27 =	vadd.s32 $0x2710, v28;
	v19 =	vmul.f32 v36, v22;
	v22 =	vld.idx.msk [tilespmem:v25+s2+$0x0], $0xffff;
	v62 =	vmul.f32 v10, v9  }
0x5b: {  	v25 =	vld.idx.msk [tilespmem:v31+s2+$0x0], $0xffff;
	v31 =	vmul.f32 v11, v11;
	v18 =	vsub.f32 v18, v33;
	v15 =	vmul.f32 v6, v34  }
0x5c: {  	v24 =	vld.idx.msk [tilespmem:v24+s2+$0x0], $0xffff;
	v11 =	vadd.s32 $0x4E20, v28;
	v30 =	vadd.s32 $0x2710, v29;
	v63 =	vmul.f32 v19, v36  }
0x5d: {  	v6 =	vmul.f32 $5.000000000e-01, v1;
	v20 =	vld.idx.msk [tilespmem:v13+s2+$0x0], $0xffff;
	v18 =	vmul.f32 v18, v18;
	v39 =	vsub.f32 $1.500000000e+00, v15  }
0x5e: {  	s15 =	simm.s32 $0xC440;
	v13 =	vshra.s32 v1, $0x1;
	v28 =	vld.idx.msk [tilespmem:v28+s2+$0x0], $0xffff;
	v19 =	vadd.s32 $0x4E20, v29;
	v40 =	vsub.f32 $1.500000000e+00, v63  }
0x5f: {  	s16 =	simm.s32 $0x8;
	s17 =	simm.s32 $0xB0;
	s18 =	simm.s32 $0x140;
	v29 =	vld.idx.msk [tilespmem:v29+s2+$0x0], $0xffff;
	v15 =	vadd.f32 v18, v31;
	v31 =	vmul.f32 v10, v62;
	v33 =	vmul.f32 v39, v34  }
0x60: {  	s14 =	simm.s32 $0xC460;
	s12 =	simm.s32 $0xC480;
	s13 =	simm.s32 $0xC4A0;
	v13 =	vsub.s32 $0x5F3759DF, v13;
	v18 =	vld.idx.msk [tilespmem:v38+s2+$0x0], $0xffff;
	v34 =	vmul.f32 v37, v37;
	v35 =	vmul.f32 v40, v36  }
.LBB2_2:
0x61: {  	s19 =	sadd.s32 $0xFFFFFFF0, s17;
	s20 =	sand.u32 $0x7F00, s18;
	s16 =	sadd.s32 $0x2, s16;
	v26 =	vld.idx.msk [tilespmem:v26+s2+$0x0], $0xffff;
	v23 =	vsub.f32 v21, v23;
	v21 =	vmul.f32 v13, v6;
	v2 =	vmul.f32 v33, v2  }
0x62: {  	s21 =	sand.u32 $0x70, s17;
	s19 =	sand.u32 $0x60, s19;
	s20 =	sadd.s32 $0x7530, s20;
	v27 =	vld.idx.msk [tilespmem:v27+s2+$0x0], $0xffff;
	v33 =	vadd.f32 v34, v16;
	v16 =	vsub.f32 v25, v22;
	v22 =	vmul.f32 v35, v5  }
0x63: {  	v14 =	vadd.f32 v17, v14;
	p0 =	slt.u32 s16, $0x276;
	v32 =	vmul.f32 v12, v32;
	v12 =	vsub.f32 $1.500000000e+00, v31;
	s19 =	sadd.s32 s19, s20;
	s20 =	sadd.s32 s21, s20;
	v30 =	vld.idx.msk [tilespmem:v30+s2+$0x0], $0xffff;
	[tilespmem:s15+$0xFFFFFFF0] =	vst v2  }
0x64: {  	v25 =	vsub.f32 v28, v24;
	v35 =	vmul.f32 v13, v21;
	v31 =	vld [tilespmem:s20+$0x80];
	v17 =	vmul.f32 v16, v16;
	[tilespmem:s15+$0x0] =	vst v22;
	s15 =	smov.u32 s14;
	s14 =	smov.u32 s12;
	s12 =	smov.u32 s13  }
0x65: {  	v5 =	vmovc v4;
	v21 =	vshra.s32 v14, $0x1;
	v4 =	vmovc v14;
	v20 =	vsub.f32 v29, v20;
	v36 =	vmul.f32 v10, v12;
	v24 =	vld [tilespmem:s19+$0x80]  }
0x66: {  	v10 =	vsub.s32 $0x5F3759DF, v21;
	v22 =	vmul.f32 $5.000000000e-01, v4;
	v16 =	vmul.f32 v25, v25;
	v2 =	vmovc v0;
	v0 =	vmovc v1;
	v28 =	vld [tilespmem:s19+$0x0]  }
0x67: {  	v25 =	vmul.f32 v32, v3;
	v3 =	vmovc v6;
	v1 =	vadd.f32 v17, v33;
	v33 =	vmul.f32 v36, v9;
	v29 =	vld [tilespmem:s20+$0x0]  }
0x68: {  	v17 =	vmul.f32 v23, v23;
	v37 =	vmul.f32 v10, v22;
	v34 =	vsub.f32 v27, v26;
	v21 =	vld.idx.msk [tilespmem:v19+s2+$0x0], $0xffff  }
0x69: {  	v9 =	vmovc v22;
	v12 =	vmovc v13;
	v19 =	vmul.f32 v25, v32;
	v38 =	vadd.s32 $0x2710, v31;
	v23 =	vld.idx.msk [tilespmem:v7+s2+$0x0], $0xffff;
	v7 =	vadd.s32 $0x4E20, v31  }
0x6a: {  	v14 =	vmovc v15;
	v6 =	vmul.f32 $5.000000000e-01, v1;
	v26 =	vadd.s32 $0x2710, v24;
	v22 =	vld.idx.msk [tilespmem:v8+s2+$0x0], $0xffff;
	v8 =	vadd.s32 $0x4E20, v24  }
0x6b: {  	v15 =	vmul.f32 v20, v20;
	v13 =	vsub.f32 v30, v18;
	v18 =	vmul.f32 v33, v36;
	v25 =	vld.idx.msk [tilespmem:v11+s2+$0x0], $0xffff  }
.Ltmp0:
0x6c: {  	v27 =	vadd.s32 $0x2710, v28;
	v11 =	vadd.s32 $0x4E20, v28;
	v20 =	vld.idx.msk [tilespmem:v31+s2+$0x0], $0xffff;
	v31 =	vshra.s32 v1, $0x1;
	(pc) =	sbr.rel @p0 .LBB2_2-.Ltmp0, $4  }
0x6d: {  	v33 =	vmul.f32 v13, v13;
	v39 =	vsub.f32 $1.500000000e+00, v19;
	v30 =	vadd.s32 $0x2710, v29;
	v24 =	vld.idx.msk [tilespmem:v24+s2+$0x0], $0xffff  }
0x6e: {  	v40 =	vsub.f32 $1.500000000e+00, v18;
	v19 =	vadd.s32 $0x4E20, v29;
	v13 =	vsub.s32 $0x5F3759DF, v31;
	v28 =	vld.idx.msk [tilespmem:v28+s2+$0x0], $0xffff  }
0x6f: {  	v15 =	vadd.f32 v33, v15;
	v33 =	vmul.f32 v39, v32;
	v31 =	vmul.f32 v10, v37;
	v29 =	vld.idx.msk [tilespmem:v29+s2+$0x0], $0xffff  }
0x70: {  	s17 =	sadd.s32 $0x20, s17;
	s18 =	sadd.s32 $0x40, s18;
	s13 =	sadd.s32 $0x20, s13;
	v34 =	vmul.f32 v34, v34;
	v32 =	vsub.f32 $1.500000000e+00, v35;
	v35 =	vmul.f32 v40, v36;
	v18 =	vld.idx.msk [tilespmem:v38+s2+$0x0], $0xffff  }
0x71: {  	_ =	sdelay $0x3  }
0x72: {  	v26 =	vld.idx.msk [tilespmem:v26+s2+$0x0], $0xffff  }
0x73: {  	v21 =	vsub.f32 v21, v23;
	v50 =	vmul.f32 v13, v6;
	v22 =	vsub.f32 v25, v22;
	v51 =	vld.idx.msk [tilespmem:v30+s2+$0x0], $0xffff  }
0x74: {  	v2 =	vmul.f32 v33, v2;
	v14 =	vadd.f32 v17, v14;
	v52 =	vsub.f32 $1.500000000e+00, v31;
	v27 =	vld.idx.msk [tilespmem:v27+s2+$0x0], $0xffff  }
0x75: {  	v19 =	vld.idx.msk [tilespmem:v19+s2+$0x0], $0xffff;
	v16 =	vadd.f32 v34, v16;
	v5 =	vmul.f32 v35, v5;
	v12 =	vmul.f32 v12, v32  }
0x76: {  	v7 =	vld.idx.msk [tilespmem:v7+s2+$0x0], $0xffff;
	v24 =	vsub.f32 v28, v24;
	v22 =	vmul.f32 v22, v22;
	v23 =	vmul.f32 v13, v50  }
0x77: {  	v8 =	vld.idx.msk [tilespmem:v8+s2+$0x0], $0xffff;
	v53 =	vshra.s32 v14, $0x1;
	v10 =	vmul.f32 v10, v52;
	v56 =	vmul.f32 $5.000000000e-01, v14  }
0x78: {  	v11 =	vld.idx.msk [tilespmem:v11+s2+$0x0], $0xffff;
	v21 =	vmul.f32 v21, v21;
	v20 =	vsub.f32 v29, v20;
	v55 =	vsub.s32 $0x5F3759DF, v53  }
0x79: {  	v3 =	vmul.f32 v12, v3;
	v54 =	vmul.f32 v24, v24;
	v16 =	vadd.f32 v22, v16  }
0x7a: {  	v9 =	vmul.f32 v10, v9;
	v63 =	vsub.f32 $1.500000000e+00, v23;
	v25 =	vadd.f32 v21, v15  }
0x7b: {  	v57 =	vmul.f32 v55, v56;
	v18 =	vsub.f32 v51, v18;
	v58 =	vsub.f32 v27, v26  }
0x7c: {  	v3 =	vmul.f32 v3, v12;
	v20 =	vmul.f32 v20, v20;
	v7 =	vsub.f32 v19, v7  }
0x7d: {  	v8 =	vsub.f32 v11, v8;
	v9 =	vmul.f32 v9, v10;
	v60 =	vmul.f32 $5.000000000e-01, v16  }
0x7e: {  	v59 =	vshra.s32 v16, $0x1;
	v61 =	vmul.f32 v55, v57;
	v29 =	vmul.f32 v13, v63  }
0x7f: {  	v31 =	vshra.s32 v25, $0x1;
	v15 =	vmul.f32 $5.000000000e-01, v25;
	v18 =	vmul.f32 v18, v18  }
0x80: {  	v3 =	vsub.f32 $1.500000000e+00, v3;
	v26 =	vsub.s32 $0x5F3759DF, v59;
	v62 =	vmul.f32 v58, v58  }
0x81: {  	v8 =	vmul.f32 v8, v8;
	v7 =	vmul.f32 v7, v7;
	v33 =	vsub.s32 $0x5F3759DF, v31  }
0x82: {  	v9 =	vsub.f32 $1.500000000e+00, v9;
	v3 =	vmul.f32 v3, v12;
	v23 =	vadd.f32 v62, v54  }
0x83: {  	v19 =	vmul.f32 v26, v60;
	v30 =	vsub.f32 $1.500000000e+00, v61;
	v18 =	vadd.f32 v18, v20  }
0x84: {  	v13 =	vmul.f32 v33, v15;
	v0 =	vmul.f32 v3, v0;
	v3 =	vadd.f32 v8, v23  }
0x85: {  	v40 =	vmul.f32 v29, v6;
	v9 =	vmul.f32 v9, v10;
	v7 =	vadd.f32 v7, v18  }
0x86: {  	v32 =	vmul.f32 v26, v19;
	v34 =	vmul.f32 $5.000000000e-01, v3;
	v35 =	vshra.s32 v3, $0x1  }
0x87: {  	v36 =	vshra.s32 v7, $0x1;
	v37 =	vmul.f32 $5.000000000e-01, v7;
	v18 =	vsub.s32 $0x5F3759DF, v35  }
0x88: {  	v12 =	vmul.f32 v55, v30;
	v19 =	vsub.s32 $0x5F3759DF, v36;
	v38 =	vmul.f32 v18, v34  }
0x89: {  	v13 =	vmul.f32 v33, v13;
	v39 =	vmul.f32 v19, v37  }
0x8a: {  	v6 =	vmul.f32 v40, v29;
	v8 =	vsub.f32 $1.500000000e+00, v32;
	v21 =	vmul.f32 v18, v38  }
0x8b: {  	v41 =	vmul.f32 v12, v56;
	v13 =	vsub.f32 $1.500000000e+00, v13;
	v22 =	vmul.f32 v19, v39  }
0x8c: {  	v4 =	vmul.f32 v9, v4;
	v8 =	vmul.f32 v26, v8;
	v21 =	vsub.f32 $1.500000000e+00, v21  }
0x8d: {  	v23 =	vmul.f32 v41, v12;
	v10 =	vmul.f32 v33, v13;
	v42 =	vsub.f32 $1.500000000e+00, v22  }
0x8e: {  	v43 =	vmul.f32 v8, v60;
	v18 =	vmul.f32 v18, v21  }
0x8f: {  	v15 =	vmul.f32 v10, v15;
	v13 =	vmul.f32 v19, v42  }
0x90: {  	v6 =	vsub.f32 $1.500000000e+00, v6;
	v44 =	vmul.f32 v43, v8;
	v17 =	vmul.f32 v18, v34  }
0x91: {  	v45 =	vsub.f32 $1.500000000e+00, v23;
	v15 =	vmul.f32 v15, v10;
	v20 =	vmul.f32 v13, v37  }
0x92: {  	[tilespmem:s15+$0xFFFFFFF0] =	vst v2;
	v46 =	vmul.f32 v6, v29;
	v47 =	vsub.f32 $1.500000000e+00, v44;
	v48 =	vmul.f32 v17, v18  }
0x93: {  	[tilespmem:s15+$0x0] =	vst v5;
	v49 =	vmul.f32 v45, v12;
	v50 =	vsub.f32 $1.500000000e+00, v15;
	v51 =	vmul.f32 v20, v13  }
0x94: {  	[tilespmem:s14+$0xFFFFFFF0] =	vst v0;
	v52 =	vmul.f32 v46, v1;
	v53 =	vmul.f32 v47, v8;
	v54 =	vsub.f32 $1.500000000e+00, v48  }
0x95: {  	[tilespmem:s14+$0x0] =	vst v4;
	v55 =	vmul.f32 v49, v14;
	v56 =	vmul.f32 v50, v10;
	v57 =	vsub.f32 $1.500000000e+00, v51  }
0x96: {  	[tilespmem:s12+$0xFFFFFFF0] =	vst v52;
	v58 =	vmul.f32 v53, v16;
	v59 =	vmul.f32 v54, v18  }
0x97: {  	[tilespmem:s12+$0x0] =	vst v55;
	v60 =	vmul.f32 v56, v25;
	v61 =	vmul.f32 v57, v13  }
0x98: {  	[tilespmem:s13+$0xFFFFFFF0] =	vst v58;
	v62 =	vmul.f32 v59, v3  }
0x99: {  	s31 =	sadd.s32 $0x20, s13;
	s11 =	sadd.s32 $0x1, s11;
	[tilespmem:s13+$0x0] =	vst v60;
	v63 =	vmul.f32 v61, v7  }
0x9a: {  	p0 =	sne.s32 s11, s6;
	[tilespmem:s31+$0xFFFFFFF0] =	vst v62  }
.Ltmp1:
0x9b: {  	[tilespmem:s31+$0x0] =	vst v63;
	(pc) =	sbr.rel @p0 .LBB2_1-.Ltmp1, $4  }
0x9c: {  	[hbm4b:s5+s2] =	stream.linear.scatter [tilespmem:s9], [sflag:$0x2], $0x2780, $0x38;
	[tilespmem:$0xEBB0] =	vst v63  }
0x9d: {  	_ =	swait.ge [sflag:s10], $0x2780  }
0x9e: {  	[sflag:s10] =	ssyncset.done $0x0  }
0x9f: {  	[sflag:s10] =	ssyncadd.s32 $0xFFFFD880  }
0xa0: {  	_ =	sfence.sel $0x180000  }
0xa1: {  	[bflag:$0x0] =	sbarrier.arrive $0xFFFF  }
0xa2: {  	p0 =	sne.s32 s0, $0x0;
	_ =	strace $0x90000047  }
0xa3: {  	s0 =	sadd.s32 @!p0 $0x100000, s1;
	[bflag:$0x2] =	sbarrier.arrive $0xFFFF  }
0xa4: {  	[sflag:s0] =	ssyncadd.tile.s32 @!p0 $0x1;
	_ =	shalt  }
.Lfunc_end2:
_tile_overlayer_lowered:
.L_overlay_start_2:
0xa5: {  	(tag) =	ssettag $0x2  }
0xa6: {  	s0 =	rddreg [dreg:$0x0];
	s2 =	stileid.u32  }
0xa7: {  	s1 =	rddreg [dreg:$0x1];
	p0 =	sne.s32 s2, $0x0  }
0xa8: {  	s3 =	rddreg [dreg:$0x2];
	[bflag:$0x3] =	sbarrier.arrive $0xFFFF;
	s2 =	simm.s32 @!p0 $0x1C02  }
0xa9: {  	[timem:s3], [sflag:s2] =	dma.local @!p0 [hbm:s0], s1  }
0xaa: {  	s0 =	simm.s32 @!p0 $0x2  }
0xab: {  	_ =	swait.ge @!p0 [sflag:s0], s1  }
0xac: {  	s1 =	ssub.s32 @!p0 $0x0, s1;
	[sflag:s0] =	ssyncset.done @!p0 $0x0  }
0xad: {  	[sflag:s0] =	ssyncadd.s32 @!p0 s1  }
0xae: {  	[bflag:$0x3] =	sbarrier.arrive $0xFFFF  }
0xaf: {  	_ =	shalt  }

</sc_bundles>
